<compile_context>
chip_gen: v7x
topology: tpu7x:2x2x1
jax: 0.10.2.dev20260603
libtpu: 0.0.44.dev20260713+nightly
codegen_flags: <defaults>
</compile_context>

<pallas_src>
import functools

import numpy as np
import jax
import jax.numpy as jnp
from jax import lax
from jax.experimental import pallas as pl
from jax.experimental.pallas import tpu as pltpu, tpu_sc as plsc

D_MODEL = 64
SEQ_LEN = 8192
LANES = 16


def _positional_encoding_np(seq_len: int, d_model: int) -> np.ndarray:
    pos = np.arange(seq_len, dtype=np.float32)[:, None]
    div_term = np.exp(
        np.arange(0, d_model, 2, dtype=np.float32) * (-np.log(10000.0) / d_model)
    )
    pe = np.zeros((seq_len, d_model), dtype=np.float32)
    pe[:, 0::2] = np.sin(pos * div_term)
    pe[:, 1::2] = np.cos(pos * div_term)
    return pe


_PE_T = np.ascontiguousarray(_positional_encoding_np(SEQ_LEN, D_MODEL).T).reshape(-1)


@functools.cache
def _build_sc_kernel(vocab: int, seq_len: int, d_model: int):
    mesh = plsc.VectorSubcoreMesh(core_axis_name="c", subcore_axis_name="s")
    nw = mesh.num_cores * mesh.num_subcores
    rows_per_w = d_model // nw
    bulk = (vocab // 128) * 128
    tail = vocab - bulk
    n_chunks = seq_len // LANES

    @functools.partial(
        pl.kernel,
        mesh=mesh,
        out_type=jax.ShapeDtypeStruct((d_model, seq_len), jnp.float32),
        scratch_types=[
            pltpu.VMEM((seq_len,), jnp.int32),
            pltpu.VMEM((vocab,), jnp.float32),
            pltpu.VMEM((seq_len,), jnp.float32),
            pltpu.VMEM((seq_len,), jnp.float32),
            pltpu.SemaphoreType.DMA,
            pltpu.SemaphoreType.DMA,
            pltpu.SemaphoreType.DMA,
        ],
        compiler_params=pltpu.CompilerParams(
            use_tc_tiling_on_sc=True, needs_layout_passes=False
        ),
    )
    def sc_embed(
        emb_t_hbm, ids_hbm, aux_hbm, out_hbm,
        idx_v, row_v, out_a, out_b,
        sem_row, sem_pe, sem_out,
    ):
        wid = lax.axis_index("s") * mesh.num_cores + lax.axis_index("c")
        d0 = wid * rows_per_w
        outs = [out_a, out_b]
        tail_base = d_model * seq_len

        def load_row(d):
            c1 = pltpu.async_copy(
                emb_t_hbm.at[d, pl.ds(0, bulk)], row_v.at[pl.ds(0, bulk)], sem_row
            )
            if tail:
                c2 = pltpu.async_copy(
                    aux_hbm.at[pl.ds(tail_base + d * tail, tail)],
                    row_v.at[pl.ds(bulk, tail)],
                    sem_row,
                )
                return (c1, c2)
            return (c1,)

        def load_pe(d, buf):
            return pltpu.async_copy(
                aux_hbm.at[pl.ds(d * seq_len, seq_len)], buf, sem_pe
            )

        row_cp = load_row(d0)
        pe_cp = load_pe(d0, outs[0])
        pltpu.sync_copy(ids_hbm, idx_v)

        out_cp = None
        for rr in range(rows_per_w):
            d = d0 + rr
            buf = outs[rr % 2]
            for c in row_cp:
                c.wait()
            pe_cp.wait()

            def gather_chunk(i, _, buf=buf):
                sl = pl.ds(i * LANES, LANES)
                vals = plsc.load_gather(row_v, [idx_v[sl]])
                plsc.addupdate(buf.at[sl], vals)
                return _

            lax.fori_loop(0, n_chunks, gather_chunk, None, unroll=8)

            if rr != rows_per_w - 1:
                nxt = outs[(rr + 1) % 2]
                row_cp = load_row(d + 1)
                if out_cp is not None:
                    out_cp.wait()
                pe_cp = load_pe(d + 1, nxt)
                out_cp = pltpu.async_copy(
                    buf, out_hbm.at[d, pl.ds(0, seq_len)], sem_out
                )
            else:
                if out_cp is not None:
                    out_cp.wait()
                pltpu.sync_copy(buf, out_hbm.at[d, pl.ds(0, seq_len)])

    return sc_embed


def kernel(token_ids, emb):
    vocab, d_model = emb.shape
    seq_len = token_ids.shape[0]
    ids = token_ids.astype(jnp.int32)
    bulk = (vocab // 128) * 128
    aux = jnp.concatenate([jnp.asarray(_PE_T), emb.T[:, bulk:].reshape(-1)])
    out_t = _build_sc_kernel(vocab, seq_len, d_model)(emb.T, ids, aux)
    return out_t.T[None, :, :]

# --- scband reference (transcript-rebuilt; emitter-appended) ---
"""Pipeline reference for scband-text-embedding-71365176590901 (READ-ONLY COPY).

The authoritative reference and input builder live on the scoring server;
editing this copy changes nothing except your own understanding.
"""

import jax, jax.numpy as jnp
import numpy as np

D_MODEL = 64
VOCAB = 100000
SEQ_LEN = 8192


def positional_encoding(seq_len, d_model):
    pos = jnp.arange(0, seq_len, dtype=jnp.float32)[:, None]
    div_term = jnp.exp(jnp.arange(0, d_model, 2, dtype=jnp.float32) * (-np.log(10000.0) / d_model))
    pe = jnp.zeros((seq_len, d_model), dtype=jnp.float32)
    pe = pe.at[:, 0::2].set(jnp.sin(pos * div_term))
    pe = pe.at[:, 1::2].set(jnp.cos(pos * div_term))
    return pe


def setup_inputs(seed: int = 0) -> dict:
    key = jax.random.key(seed)
    k1, k2 = jax.random.split(key)
    token_ids = jax.random.randint(k1, (SEQ_LEN,), 0, VOCAB, dtype=jnp.int64 if jax.config.jax_enable_x64 else jnp.int32)
    emb = jax.random.normal(k2, (VOCAB, D_MODEL), dtype=jnp.float32)
    return {"token_ids": token_ids, "emb": emb}


def reference(token_ids, emb):
    # embedding lookup (gather)
    X = jnp.take(emb, token_ids, axis=0)  # [seq_len, d_model]
    seq_len = X.shape[0]
    X = X + positional_encoding(seq_len, D_MODEL)
    X = X[None, :, :]  # unsqueeze(0)
    return X

if __name__ == "__main__":
    import jax
    _d = setup_inputs()
    print(jax.jit(kernel)(*tuple(_d.values())))

</pallas_src>

<mosaic_0001>
#map = affine_map<(d0, d1) -> (0, 0)>
#map1 = affine_map<(d0, d1) -> (0)>
module attributes {stable_mosaic.version = 14 : i64} {
  func.func @sc_embed(%arg0: i32, %arg1: i32, %arg2: memref<64x100000xf32, #tpu.memory_space<hbm>>, %arg3: memref<8192xi32, #tpu.memory_space<hbm>>, %arg4: memref<526336xf32, #tpu.memory_space<hbm>>, %arg5: memref<64x8192xf32, #tpu.memory_space<hbm>>, %arg6: memref<8192xi32, #tpu.memory_space<vmem>>, %arg7: memref<100000xf32, #tpu.memory_space<vmem>>, %arg8: memref<8192xf32, #tpu.memory_space<vmem>>, %arg9: memref<8192xf32, #tpu.memory_space<vmem>>, %arg10: memref<!tpu.dma_semaphore, #tpu.memory_space<semaphore_mem>>, %arg11: memref<!tpu.dma_semaphore, #tpu.memory_space<semaphore_mem>>, %arg12: memref<!tpu.dma_semaphore, #tpu.memory_space<semaphore_mem>>) attributes {dimension_semantics = [#tpu.dimension_semantics<core_parallel>, #tpu.dimension_semantics<subcore_parallel>], iteration_bounds = array<i64: 2, 16>, scalar_prefetch = 0 : i64, scratch_operands = 7 : i64, tpu.core_type = #tpu.core_type<sc_vector_subcore>, window_params = [{transform_indices = #map}, {transform_indices = #map1}, {transform_indices = #map1}, {transform_indices = #map}]} {
    %mul3A = arith.constant 2 : i32
    %mul3A_0 = arith.muli %arg1, %mul3A : i32
    %add3A = arith.addi %mul3A_0, %arg0 : i32
    %mul3A_1 = arith.constant 2 : i32
    %mul3A_2 = arith.muli %add3A, %mul3A_1 : i32
    %dma_start3A = arith.constant 0 : i32
    %dma_start3A_3 = tpu.memref_slice %arg7[%dma_start3A] : memref<100000xf32, #tpu.memory_space<vmem>> -> memref<99968xf32, #tpu.memory_space<vmem>>
    %dma_start3A_4 = arith.constant 0 : i32
    %dma_start3A_5 = tpu.memref_slice %arg2[%mul3A_2, %dma_start3A_4] : memref<64x100000xf32, #tpu.memory_space<hbm>> -> memref<1x99968xf32, #tpu.memory_space<hbm>>
    %dma_start3A_6 = tpu.memref_squeeze %dma_start3A_5 : memref<1x99968xf32, #tpu.memory_space<hbm>> -> memref<99968xf32, #tpu.memory_space<hbm>>
    %dma_start3A_7 = arith.constant 0 : i32
    %dma_start3A_8 = tpu.memref_slice %arg7[%dma_start3A_7] : memref<100000xf32, #tpu.memory_space<vmem>> -> memref<99968xf32, #tpu.memory_space<vmem>>
    %dma_start3A_9 = arith.constant 0 : i32
    %dma_start3A_10 = tpu.memref_slice %arg2[%mul3A_2, %dma_start3A_9] : memref<64x100000xf32, #tpu.memory_space<hbm>> -> memref<1x99968xf32, #tpu.memory_space<hbm>>
    %dma_start3A_11 = tpu.memref_squeeze %dma_start3A_10 : memref<1x99968xf32, #tpu.memory_space<hbm>> -> memref<99968xf32, #tpu.memory_space<hbm>>
    tpu.enqueue_dma source(%dma_start3A_11 : memref<99968xf32, #tpu.memory_space<hbm>>) target(%dma_start3A_8 : memref<99968xf32, #tpu.memory_space<vmem>>) target_semaphore(%arg10 : memref<!tpu.dma_semaphore, #tpu.memory_space<semaphore_mem>>)
    %mul3A_12 = arith.constant 32 : i32
    %mul3A_13 = arith.muli %mul3A_2, %mul3A_12 : i32
    %add3A_14 = arith.constant 524288 : i32
    %add3A_15 = arith.addi %add3A_14, %mul3A_13 : i32
    %dma_start3A_16 = arith.constant 99968 : i32
    %dma_start3A_17 = tpu.memref_slice %arg7[%dma_start3A_16] : memref<100000xf32, #tpu.memory_space<vmem>> -> memref<32xf32, #tpu.memory_space<vmem>>
    %dma_start3A_18 = tpu.memref_slice %arg4[%add3A_15] : memref<526336xf32, #tpu.memory_space<hbm>> -> memref<32xf32, #tpu.memory_space<hbm>>
    %dma_start3A_19 = arith.constant 99968 : i32
    %dma_start3A_20 = tpu.memref_slice %arg7[%dma_start3A_19] : memref<100000xf32, #tpu.memory_space<vmem>> -> memref<32xf32, #tpu.memory_space<vmem>>
    %dma_start3A_21 = tpu.memref_slice %arg4[%add3A_15] : memref<526336xf32, #tpu.memory_space<hbm>> -> memref<32xf32, #tpu.memory_space<hbm>>
    tpu.enqueue_dma source(%dma_start3A_21 : memref<32xf32, #tpu.memory_space<hbm>>) target(%dma_start3A_20 : memref<32xf32, #tpu.memory_space<vmem>>) target_semaphore(%arg10 : memref<!tpu.dma_semaphore, #tpu.memory_space<semaphore_mem>>)
    %mul3A_22 = arith.constant 8192 : i32
    %mul3A_23 = arith.muli %mul3A_2, %mul3A_22 : i32
    %dma_start3A_24 = tpu.memref_slice %arg4[%mul3A_23] : memref<526336xf32, #tpu.memory_space<hbm>> -> memref<8192xf32, #tpu.memory_space<hbm>>
    %dma_start3A_25 = tpu.memref_slice %arg4[%mul3A_23] : memref<526336xf32, #tpu.memory_space<hbm>> -> memref<8192xf32, #tpu.memory_space<hbm>>
    tpu.enqueue_dma source(%dma_start3A_25 : memref<8192xf32, #tpu.memory_space<hbm>>) target(%arg8 : memref<8192xf32, #tpu.memory_space<vmem>>) target_semaphore(%arg11 : memref<!tpu.dma_semaphore, #tpu.memory_space<semaphore_mem>>)
    "tpu.region"() ({
      %run_scoped3A = tpu.sem_alloc : memref<!tpu.dma_semaphore, #tpu.memory_space<semaphore_mem>>
      tpu.enqueue_dma source(%arg3 : memref<8192xi32, #tpu.memory_space<hbm>>) target(%arg6 : memref<8192xi32, #tpu.memory_space<vmem>>) target_semaphore(%run_scoped3A : memref<!tpu.dma_semaphore, #tpu.memory_space<semaphore_mem>>)
      tpu.wait_dma2 semaphore(%run_scoped3A : memref<!tpu.dma_semaphore, #tpu.memory_space<semaphore_mem>>) src(%arg3 : memref<8192xi32, #tpu.memory_space<hbm>>) dst(%arg6 : memref<8192xi32, #tpu.memory_space<vmem>>)
      tpu.yield
    }) : () -> ()
    %add3A_26 = arith.constant 0 : i32
    %add3A_27 = arith.addi %mul3A_2, %add3A_26 : i32
    %dma_wait3A = arith.constant 0 : i32
    %dma_wait3A_28 = tpu.memref_slice %arg7[%dma_wait3A] : memref<100000xf32, #tpu.memory_space<vmem>> -> memref<99968xf32, #tpu.memory_space<vmem>>
    %dma_wait3A_29 = arith.constant 0 : i32
    %dma_wait3A_30 = tpu.memref_slice %arg2[%mul3A_2, %dma_wait3A_29] : memref<64x100000xf32, #tpu.memory_space<hbm>> -> memref<1x99968xf32, #tpu.memory_space<hbm>>
    %dma_wait3A_31 = tpu.memref_squeeze %dma_wait3A_30 : memref<1x99968xf32, #tpu.memory_space<hbm>> -> memref<99968xf32, #tpu.memory_space<hbm>>
    %dma_wait3A_32 = arith.constant 0 : i32
    %dma_wait3A_33 = tpu.memref_slice %arg7[%dma_wait3A_32] : memref<100000xf32, #tpu.memory_space<vmem>> -> memref<99968xf32, #tpu.memory_space<vmem>>
    %dma_wait3A_34 = arith.constant 0 : i32
    %dma_wait3A_35 = tpu.memref_slice %arg2[%mul3A_2, %dma_wait3A_34] : memref<64x100000xf32, #tpu.memory_space<hbm>> -> memref<1x99968xf32, #tpu.memory_space<hbm>>
    %dma_wait3A_36 = tpu.memref_squeeze %dma_wait3A_35 : memref<1x99968xf32, #tpu.memory_space<hbm>> -> memref<99968xf32, #tpu.memory_space<hbm>>
    tpu.wait_dma2 semaphore(%arg10 : memref<!tpu.dma_semaphore, #tpu.memory_space<semaphore_mem>>) src(%dma_wait3A_36 : memref<99968xf32, #tpu.memory_space<hbm>>) dst(%dma_wait3A_33 : memref<99968xf32, #tpu.memory_space<vmem>>)
    %dma_wait3A_37 = arith.constant 99968 : i32
    %dma_wait3A_38 = tpu.memref_slice %arg7[%dma_wait3A_37] : memref<100000xf32, #tpu.memory_space<vmem>> -> memref<32xf32, #tpu.memory_space<vmem>>
    %dma_wait3A_39 = tpu.memref_slice %arg4[%add3A_15] : memref<526336xf32, #tpu.memory_space<hbm>> -> memref<32xf32, #tpu.memory_space<hbm>>
    %dma_wait3A_40 = arith.constant 99968 : i32
    %dma_wait3A_41 = tpu.memref_slice %arg7[%dma_wait3A_40] : memref<100000xf32, #tpu.memory_space<vmem>> -> memref<32xf32, #tpu.memory_space<vmem>>
    %dma_wait3A_42 = tpu.memref_slice %arg4[%add3A_15] : memref<526336xf32, #tpu.memory_space<hbm>> -> memref<32xf32, #tpu.memory_space<hbm>>
    tpu.wait_dma2 semaphore(%arg10 : memref<!tpu.dma_semaphore, #tpu.memory_space<semaphore_mem>>) src(%dma_wait3A_42 : memref<32xf32, #tpu.memory_space<hbm>>) dst(%dma_wait3A_41 : memref<32xf32, #tpu.memory_space<vmem>>)
    %dma_wait3A_43 = tpu.memref_slice %arg4[%mul3A_23] : memref<526336xf32, #tpu.memory_space<hbm>> -> memref<8192xf32, #tpu.memory_space<hbm>>
    %dma_wait3A_44 = tpu.memref_slice %arg4[%mul3A_23] : memref<526336xf32, #tpu.memory_space<hbm>> -> memref<8192xf32, #tpu.memory_space<hbm>>
    tpu.wait_dma2 semaphore(%arg11 : memref<!tpu.dma_semaphore, #tpu.memory_space<semaphore_mem>>) src(%dma_wait3A_44 : memref<8192xf32, #tpu.memory_space<hbm>>) dst(%arg8 : memref<8192xf32, #tpu.memory_space<vmem>>)
    %scan3A = arith.constant 0 : i32
    %scan3A_45 = arith.constant 512 : i32
    %scan3A_46 = arith.addi %scan3A, %scan3A_45 : i32
    %scan3A_47 = arith.constant 8 : i32
    scf.for %scan3A_114 = %scan3A to %scan3A_46 step %scan3A_47  : i32 {
      %mul3A_115 = arith.constant 16 : i32
      %mul3A_116 = arith.muli %scan3A_114, %mul3A_115 : i32
      %get3A = arith.index_cast %mul3A_116 : i32 to index
      %get3A_117 = tpu.vector_load %arg6[%get3A] {strides = array<i32>} : memref<8192xi32, #tpu.memory_space<vmem>>, vector<16xi32>,
      %gather3A = tpu.vector_load_idx %arg7[%get3A_117] : memref<100000xf32, #tpu.memory_space<vmem>>[vector<16xi32>], vector<16xf32>,
      %swap3A = arith.index_cast %mul3A_116 : i32 to index
      %swap3A_118 = tpu.vector_load %arg8[%swap3A] {strides = array<i32>} : memref<8192xf32, #tpu.memory_space<vmem>>, vector<16xf32>,
      tpu.vector_store %arg8[%swap3A], %gather3A {add = true, strides = array<i32>} : memref<8192xf32, #tpu.memory_space<vmem>>, vector<16xf32>,
      %scan3A_119 = arith.constant 1 : i32
      %scan3A_120 = arith.addi %scan3A_114, %scan3A_119 : i32
      %mul3A_121 = arith.constant 16 : i32
      %mul3A_122 = arith.muli %scan3A_120, %mul3A_121 : i32
      %get3A_123 = arith.index_cast %mul3A_122 : i32 to index
      %get3A_124 = tpu.vector_load %arg6[%get3A_123] {strides = array<i32>} : memref<8192xi32, #tpu.memory_space<vmem>>, vector<16xi32>,
      %gather3A_125 = tpu.vector_load_idx %arg7[%get3A_124] : memref<100000xf32, #tpu.memory_space<vmem>>[vector<16xi32>], vector<16xf32>,
      %swap3A_126 = arith.index_cast %mul3A_122 : i32 to index
      %swap3A_127 = tpu.vector_load %arg8[%swap3A_126] {strides = array<i32>} : memref<8192xf32, #tpu.memory_space<vmem>>, vector<16xf32>,
      tpu.vector_store %arg8[%swap3A_126], %gather3A_125 {add = true, strides = array<i32>} : memref<8192xf32, #tpu.memory_space<vmem>>, vector<16xf32>,
      %scan3A_128 = arith.constant 2 : i32
      %scan3A_129 = arith.addi %scan3A_114, %scan3A_128 : i32
      %mul3A_130 = arith.constant 16 : i32
      %mul3A_131 = arith.muli %scan3A_129, %mul3A_130 : i32
      %get3A_132 = arith.index_cast %mul3A_131 : i32 to index
      %get3A_133 = tpu.vector_load %arg6[%get3A_132] {strides = array<i32>} : memref<8192xi32, #tpu.memory_space<vmem>>, vector<16xi32>,
      %gather3A_134 = tpu.vector_load_idx %arg7[%get3A_133] : memref<100000xf32, #tpu.memory_space<vmem>>[vector<16xi32>], vector<16xf32>,
      %swap3A_135 = arith.index_cast %mul3A_131 : i32 to index
      %swap3A_136 = tpu.vector_load %arg8[%swap3A_135] {strides = array<i32>} : memref<8192xf32, #tpu.memory_space<vmem>>, vector<16xf32>,
      tpu.vector_store %arg8[%swap3A_135], %gather3A_134 {add = true, strides = array<i32>} : memref<8192xf32, #tpu.memory_space<vmem>>, vector<16xf32>,
      %scan3A_137 = arith.constant 3 : i32
      %scan3A_138 = arith.addi %scan3A_114, %scan3A_137 : i32
      %mul3A_139 = arith.constant 16 : i32
      %mul3A_140 = arith.muli %scan3A_138, %mul3A_139 : i32
      %get3A_141 = arith.index_cast %mul3A_140 : i32 to index
      %get3A_142 = tpu.vector_load %arg6[%get3A_141] {strides = array<i32>} : memref<8192xi32, #tpu.memory_space<vmem>>, vector<16xi32>,
      %gather3A_143 = tpu.vector_load_idx %arg7[%get3A_142] : memref<100000xf32, #tpu.memory_space<vmem>>[vector<16xi32>], vector<16xf32>,
      %swap3A_144 = arith.index_cast %mul3A_140 : i32 to index
      %swap3A_145 = tpu.vector_load %arg8[%swap3A_144] {strides = array<i32>} : memref<8192xf32, #tpu.memory_space<vmem>>, vector<16xf32>,
      tpu.vector_store %arg8[%swap3A_144], %gather3A_143 {add = true, strides = array<i32>} : memref<8192xf32, #tpu.memory_space<vmem>>, vector<16xf32>,
      %scan3A_146 = arith.constant 4 : i32
      %scan3A_147 = arith.addi %scan3A_114, %scan3A_146 : i32
      %mul3A_148 = arith.constant 16 : i32
      %mul3A_149 = arith.muli %scan3A_147, %mul3A_148 : i32
      %get3A_150 = arith.index_cast %mul3A_149 : i32 to index
      %get3A_151 = tpu.vector_load %arg6[%get3A_150] {strides = array<i32>} : memref<8192xi32, #tpu.memory_space<vmem>>, vector<16xi32>,
      %gather3A_152 = tpu.vector_load_idx %arg7[%get3A_151] : memref<100000xf32, #tpu.memory_space<vmem>>[vector<16xi32>], vector<16xf32>,
      %swap3A_153 = arith.index_cast %mul3A_149 : i32 to index
      %swap3A_154 = tpu.vector_load %arg8[%swap3A_153] {strides = array<i32>} : memref<8192xf32, #tpu.memory_space<vmem>>, vector<16xf32>,
      tpu.vector_store %arg8[%swap3A_153], %gather3A_152 {add = true, strides = array<i32>} : memref<8192xf32, #tpu.memory_space<vmem>>, vector<16xf32>,
      %scan3A_155 = arith.constant 5 : i32
      %scan3A_156 = arith.addi %scan3A_114, %scan3A_155 : i32
      %mul3A_157 = arith.constant 16 : i32
      %mul3A_158 = arith.muli %scan3A_156, %mul3A_157 : i32
      %get3A_159 = arith.index_cast %mul3A_158 : i32 to index
      %get3A_160 = tpu.vector_load %arg6[%get3A_159] {strides = array<i32>} : memref<8192xi32, #tpu.memory_space<vmem>>, vector<16xi32>,
      %gather3A_161 = tpu.vector_load_idx %arg7[%get3A_160] : memref<100000xf32, #tpu.memory_space<vmem>>[vector<16xi32>], vector<16xf32>,
      %swap3A_162 = arith.index_cast %mul3A_158 : i32 to index
      %swap3A_163 = tpu.vector_load %arg8[%swap3A_162] {strides = array<i32>} : memref<8192xf32, #tpu.memory_space<vmem>>, vector<16xf32>,
      tpu.vector_store %arg8[%swap3A_162], %gather3A_161 {add = true, strides = array<i32>} : memref<8192xf32, #tpu.memory_space<vmem>>, vector<16xf32>,
      %scan3A_164 = arith.constant 6 : i32
      %scan3A_165 = arith.addi %scan3A_114, %scan3A_164 : i32
      %mul3A_166 = arith.constant 16 : i32
      %mul3A_167 = arith.muli %scan3A_165, %mul3A_166 : i32
      %get3A_168 = arith.index_cast %mul3A_167 : i32 to index
      %get3A_169 = tpu.vector_load %arg6[%get3A_168] {strides = array<i32>} : memref<8192xi32, #tpu.memory_space<vmem>>, vector<16xi32>,
      %gather3A_170 = tpu.vector_load_idx %arg7[%get3A_169] : memref<100000xf32, #tpu.memory_space<vmem>>[vector<16xi32>], vector<16xf32>,
      %swap3A_171 = arith.index_cast %mul3A_167 : i32 to index
      %swap3A_172 = tpu.vector_load %arg8[%swap3A_171] {strides = array<i32>} : memref<8192xf32, #tpu.memory_space<vmem>>, vector<16xf32>,
      tpu.vector_store %arg8[%swap3A_171], %gather3A_170 {add = true, strides = array<i32>} : memref<8192xf32, #tpu.memory_space<vmem>>, vector<16xf32>,
      %scan3A_173 = arith.constant 7 : i32
      %scan3A_174 = arith.addi %scan3A_114, %scan3A_173 : i32
      %mul3A_175 = arith.constant 16 : i32
      %mul3A_176 = arith.muli %scan3A_174, %mul3A_175 : i32
      %get3A_177 = arith.index_cast %mul3A_176 : i32 to index
      %get3A_178 = tpu.vector_load %arg6[%get3A_177] {strides = array<i32>} : memref<8192xi32, #tpu.memory_space<vmem>>, vector<16xi32>,
      %gather3A_179 = tpu.vector_load_idx %arg7[%get3A_178] : memref<100000xf32, #tpu.memory_space<vmem>>[vector<16xi32>], vector<16xf32>,
      %swap3A_180 = arith.index_cast %mul3A_176 : i32 to index
      %swap3A_181 = tpu.vector_load %arg8[%swap3A_180] {strides = array<i32>} : memref<8192xf32, #tpu.memory_space<vmem>>, vector<16xf32>,
      tpu.vector_store %arg8[%swap3A_180], %gather3A_179 {add = true, strides = array<i32>} : memref<8192xf32, #tpu.memory_space<vmem>>, vector<16xf32>,
    }
    %scan3A_48 = arith.constant 512 : i32
    %add3A_49 = arith.constant 1 : i32
    %add3A_50 = arith.addi %add3A_27, %add3A_49 : i32
    %dma_start3A_51 = arith.constant 0 : i32
    %dma_start3A_52 = tpu.memref_slice %arg7[%dma_start3A_51] : memref<100000xf32, #tpu.memory_space<vmem>> -> memref<99968xf32, #tpu.memory_space<vmem>>
    %dma_start3A_53 = arith.constant 0 : i32
    %dma_start3A_54 = tpu.memref_slice %arg2[%add3A_50, %dma_start3A_53] : memref<64x100000xf32, #tpu.memory_space<hbm>> -> memref<1x99968xf32, #tpu.memory_space<hbm>>
    %dma_start3A_55 = tpu.memref_squeeze %dma_start3A_54 : memref<1x99968xf32, #tpu.memory_space<hbm>> -> memref<99968xf32, #tpu.memory_space<hbm>>
    %dma_start3A_56 = arith.constant 0 : i32
    %dma_start3A_57 = tpu.memref_slice %arg7[%dma_start3A_56] : memref<100000xf32, #tpu.memory_space<vmem>> -> memref<99968xf32, #tpu.memory_space<vmem>>
    %dma_start3A_58 = arith.constant 0 : i32
    %dma_start3A_59 = tpu.memref_slice %arg2[%add3A_50, %dma_start3A_58] : memref<64x100000xf32, #tpu.memory_space<hbm>> -> memref<1x99968xf32, #tpu.memory_space<hbm>>
    %dma_start3A_60 = tpu.memref_squeeze %dma_start3A_59 : memref<1x99968xf32, #tpu.memory_space<hbm>> -> memref<99968xf32, #tpu.memory_space<hbm>>
    tpu.enqueue_dma source(%dma_start3A_60 : memref<99968xf32, #tpu.memory_space<hbm>>) target(%dma_start3A_57 : memref<99968xf32, #tpu.memory_space<vmem>>) target_semaphore(%arg10 : memref<!tpu.dma_semaphore, #tpu.memory_space<semaphore_mem>>)
    %mul3A_61 = arith.constant 32 : i32
    %mul3A_62 = arith.muli %add3A_50, %mul3A_61 : i32
    %add3A_63 = arith.constant 524288 : i32
    %add3A_64 = arith.addi %add3A_63, %mul3A_62 : i32
    %dma_start3A_65 = arith.constant 99968 : i32
    %dma_start3A_66 = tpu.memref_slice %arg7[%dma_start3A_65] : memref<100000xf32, #tpu.memory_space<vmem>> -> memref<32xf32, #tpu.memory_space<vmem>>
    %dma_start3A_67 = tpu.memref_slice %arg4[%add3A_64] : memref<526336xf32, #tpu.memory_space<hbm>> -> memref<32xf32, #tpu.memory_space<hbm>>
    %dma_start3A_68 = arith.constant 99968 : i32
    %dma_start3A_69 = tpu.memref_slice %arg7[%dma_start3A_68] : memref<100000xf32, #tpu.memory_space<vmem>> -> memref<32xf32, #tpu.memory_space<vmem>>
    %dma_start3A_70 = tpu.memref_slice %arg4[%add3A_64] : memref<526336xf32, #tpu.memory_space<hbm>> -> memref<32xf32, #tpu.memory_space<hbm>>
    tpu.enqueue_dma source(%dma_start3A_70 : memref<32xf32, #tpu.memory_space<hbm>>) target(%dma_start3A_69 : memref<32xf32, #tpu.memory_space<vmem>>) target_semaphore(%arg10 : memref<!tpu.dma_semaphore, #tpu.memory_space<semaphore_mem>>)
    %add3A_71 = arith.constant 1 : i32
    %add3A_72 = arith.addi %add3A_27, %add3A_71 : i32
    %mul3A_73 = arith.constant 8192 : i32
    %mul3A_74 = arith.muli %add3A_72, %mul3A_73 : i32
    %dma_start3A_75 = tpu.memref_slice %arg4[%mul3A_74] : memref<526336xf32, #tpu.memory_space<hbm>> -> memref<8192xf32, #tpu.memory_space<hbm>>
    %dma_start3A_76 = tpu.memref_slice %arg4[%mul3A_74] : memref<526336xf32, #tpu.memory_space<hbm>> -> memref<8192xf32, #tpu.memory_space<hbm>>
    tpu.enqueue_dma source(%dma_start3A_76 : memref<8192xf32, #tpu.memory_space<hbm>>) target(%arg9 : memref<8192xf32, #tpu.memory_space<vmem>>) target_semaphore(%arg11 : memref<!tpu.dma_semaphore, #tpu.memory_space<semaphore_mem>>)
    %dma_start3A_77 = arith.constant 0 : i32
    %dma_start3A_78 = tpu.memref_slice %arg5[%add3A_27, %dma_start3A_77] : memref<64x8192xf32, #tpu.memory_space<hbm>> -> memref<1x8192xf32, #tpu.memory_space<hbm>>
    %dma_start3A_79 = tpu.memref_squeeze %dma_start3A_78 : memref<1x8192xf32, #tpu.memory_space<hbm>> -> memref<8192xf32, #tpu.memory_space<hbm>>
    %dma_start3A_80 = arith.constant 0 : i32
    %dma_start3A_81 = tpu.memref_slice %arg5[%add3A_27, %dma_start3A_80] : memref<64x8192xf32, #tpu.memory_space<hbm>> -> memref<1x8192xf32, #tpu.memory_space<hbm>>
    %dma_start3A_82 = tpu.memref_squeeze %dma_start3A_81 : memref<1x8192xf32, #tpu.memory_space<hbm>> -> memref<8192xf32, #tpu.memory_space<hbm>>
    tpu.enqueue_dma source(%arg8 : memref<8192xf32, #tpu.memory_space<vmem>>) target(%dma_start3A_82 : memref<8192xf32, #tpu.memory_space<hbm>>) target_semaphore(%arg12 : memref<!tpu.dma_semaphore, #tpu.memory_space<semaphore_mem>>)
    %add3A_83 = arith.constant 1 : i32
    %add3A_84 = arith.addi %mul3A_2, %add3A_83 : i32
    %dma_wait3A_85 = arith.constant 0 : i32
    %dma_wait3A_86 = tpu.memref_slice %arg7[%dma_wait3A_85] : memref<100000xf32, #tpu.memory_space<vmem>> -> memref<99968xf32, #tpu.memory_space<vmem>>
    %dma_wait3A_87 = arith.constant 0 : i32
    %dma_wait3A_88 = tpu.memref_slice %arg2[%add3A_50, %dma_wait3A_87] : memref<64x100000xf32, #tpu.memory_space<hbm>> -> memref<1x99968xf32, #tpu.memory_space<hbm>>
    %dma_wait3A_89 = tpu.memref_squeeze %dma_wait3A_88 : memref<1x99968xf32, #tpu.memory_space<hbm>> -> memref<99968xf32, #tpu.memory_space<hbm>>
    %dma_wait3A_90 = arith.constant 0 : i32
    %dma_wait3A_91 = tpu.memref_slice %arg7[%dma_wait3A_90] : memref<100000xf32, #tpu.memory_space<vmem>> -> memref<99968xf32, #tpu.memory_space<vmem>>
    %dma_wait3A_92 = arith.constant 0 : i32
    %dma_wait3A_93 = tpu.memref_slice %arg2[%add3A_50, %dma_wait3A_92] : memref<64x100000xf32, #tpu.memory_space<hbm>> -> memref<1x99968xf32, #tpu.memory_space<hbm>>
    %dma_wait3A_94 = tpu.memref_squeeze %dma_wait3A_93 : memref<1x99968xf32, #tpu.memory_space<hbm>> -> memref<99968xf32, #tpu.memory_space<hbm>>
    tpu.wait_dma2 semaphore(%arg10 : memref<!tpu.dma_semaphore, #tpu.memory_space<semaphore_mem>>) src(%dma_wait3A_94 : memref<99968xf32, #tpu.memory_space<hbm>>) dst(%dma_wait3A_91 : memref<99968xf32, #tpu.memory_space<vmem>>)
    %dma_wait3A_95 = arith.constant 99968 : i32
    %dma_wait3A_96 = tpu.memref_slice %arg7[%dma_wait3A_95] : memref<100000xf32, #tpu.memory_space<vmem>> -> memref<32xf32, #tpu.memory_space<vmem>>
    %dma_wait3A_97 = tpu.memref_slice %arg4[%add3A_64] : memref<526336xf32, #tpu.memory_space<hbm>> -> memref<32xf32, #tpu.memory_space<hbm>>
    %dma_wait3A_98 = arith.constant 99968 : i32
    %dma_wait3A_99 = tpu.memref_slice %arg7[%dma_wait3A_98] : memref<100000xf32, #tpu.memory_space<vmem>> -> memref<32xf32, #tpu.memory_space<vmem>>
    %dma_wait3A_100 = tpu.memref_slice %arg4[%add3A_64] : memref<526336xf32, #tpu.memory_space<hbm>> -> memref<32xf32, #tpu.memory_space<hbm>>
    tpu.wait_dma2 semaphore(%arg10 : memref<!tpu.dma_semaphore, #tpu.memory_space<semaphore_mem>>) src(%dma_wait3A_100 : memref<32xf32, #tpu.memory_space<hbm>>) dst(%dma_wait3A_99 : memref<32xf32, #tpu.memory_space<vmem>>)
    %dma_wait3A_101 = tpu.memref_slice %arg4[%mul3A_74] : memref<526336xf32, #tpu.memory_space<hbm>> -> memref<8192xf32, #tpu.memory_space<hbm>>
    %dma_wait3A_102 = tpu.memref_slice %arg4[%mul3A_74] : memref<526336xf32, #tpu.memory_space<hbm>> -> memref<8192xf32, #tpu.memory_space<hbm>>
    tpu.wait_dma2 semaphore(%arg11 : memref<!tpu.dma_semaphore, #tpu.memory_space<semaphore_mem>>) src(%dma_wait3A_102 : memref<8192xf32, #tpu.memory_space<hbm>>) dst(%arg9 : memref<8192xf32, #tpu.memory_space<vmem>>)
    %scan3A_103 = arith.constant 0 : i32
    %scan3A_104 = arith.constant 512 : i32
    %scan3A_105 = arith.addi %scan3A_103, %scan3A_104 : i32
    %scan3A_106 = arith.constant 8 : i32
    scf.for %scan3A_114 = %scan3A_103 to %scan3A_105 step %scan3A_106  : i32 {
      %mul3A_115 = arith.constant 16 : i32
      %mul3A_116 = arith.muli %scan3A_114, %mul3A_115 : i32
      %get3A = arith.index_cast %mul3A_116 : i32 to index
      %get3A_117 = tpu.vector_load %arg6[%get3A] {strides = array<i32>} : memref<8192xi32, #tpu.memory_space<vmem>>, vector<16xi32>,
      %gather3A = tpu.vector_load_idx %arg7[%get3A_117] : memref<100000xf32, #tpu.memory_space<vmem>>[vector<16xi32>], vector<16xf32>,
      %swap3A = arith.index_cast %mul3A_116 : i32 to index
      %swap3A_118 = tpu.vector_load %arg9[%swap3A] {strides = array<i32>} : memref<8192xf32, #tpu.memory_space<vmem>>, vector<16xf32>,
      tpu.vector_store %arg9[%swap3A], %gather3A {add = true, strides = array<i32>} : memref<8192xf32, #tpu.memory_space<vmem>>, vector<16xf32>,
      %scan3A_119 = arith.constant 1 : i32
      %scan3A_120 = arith.addi %scan3A_114, %scan3A_119 : i32
      %mul3A_121 = arith.constant 16 : i32
      %mul3A_122 = arith.muli %scan3A_120, %mul3A_121 : i32
      %get3A_123 = arith.index_cast %mul3A_122 : i32 to index
      %get3A_124 = tpu.vector_load %arg6[%get3A_123] {strides = array<i32>} : memref<8192xi32, #tpu.memory_space<vmem>>, vector<16xi32>,
      %gather3A_125 = tpu.vector_load_idx %arg7[%get3A_124] : memref<100000xf32, #tpu.memory_space<vmem>>[vector<16xi32>], vector<16xf32>,
      %swap3A_126 = arith.index_cast %mul3A_122 : i32 to index
      %swap3A_127 = tpu.vector_load %arg9[%swap3A_126] {strides = array<i32>} : memref<8192xf32, #tpu.memory_space<vmem>>, vector<16xf32>,
      tpu.vector_store %arg9[%swap3A_126], %gather3A_125 {add = true, strides = array<i32>} : memref<8192xf32, #tpu.memory_space<vmem>>, vector<16xf32>,
      %scan3A_128 = arith.constant 2 : i32
      %scan3A_129 = arith.addi %scan3A_114, %scan3A_128 : i32
      %mul3A_130 = arith.constant 16 : i32
      %mul3A_131 = arith.muli %scan3A_129, %mul3A_130 : i32
      %get3A_132 = arith.index_cast %mul3A_131 : i32 to index
      %get3A_133 = tpu.vector_load %arg6[%get3A_132] {strides = array<i32>} : memref<8192xi32, #tpu.memory_space<vmem>>, vector<16xi32>,
      %gather3A_134 = tpu.vector_load_idx %arg7[%get3A_133] : memref<100000xf32, #tpu.memory_space<vmem>>[vector<16xi32>], vector<16xf32>,
      %swap3A_135 = arith.index_cast %mul3A_131 : i32 to index
      %swap3A_136 = tpu.vector_load %arg9[%swap3A_135] {strides = array<i32>} : memref<8192xf32, #tpu.memory_space<vmem>>, vector<16xf32>,
      tpu.vector_store %arg9[%swap3A_135], %gather3A_134 {add = true, strides = array<i32>} : memref<8192xf32, #tpu.memory_space<vmem>>, vector<16xf32>,
      %scan3A_137 = arith.constant 3 : i32
      %scan3A_138 = arith.addi %scan3A_114, %scan3A_137 : i32
      %mul3A_139 = arith.constant 16 : i32
      %mul3A_140 = arith.muli %scan3A_138, %mul3A_139 : i32
      %get3A_141 = arith.index_cast %mul3A_140 : i32 to index
      %get3A_142 = tpu.vector_load %arg6[%get3A_141] {strides = array<i32>} : memref<8192xi32, #tpu.memory_space<vmem>>, vector<16xi32>,
      %gather3A_143 = tpu.vector_load_idx %arg7[%get3A_142] : memref<100000xf32, #tpu.memory_space<vmem>>[vector<16xi32>], vector<16xf32>,
      %swap3A_144 = arith.index_cast %mul3A_140 : i32 to index
      %swap3A_145 = tpu.vector_load %arg9[%swap3A_144] {strides = array<i32>} : memref<8192xf32, #tpu.memory_space<vmem>>, vector<16xf32>,
      tpu.vector_store %arg9[%swap3A_144], %gather3A_143 {add = true, strides = array<i32>} : memref<8192xf32, #tpu.memory_space<vmem>>, vector<16xf32>,
      %scan3A_146 = arith.constant 4 : i32
      %scan3A_147 = arith.addi %scan3A_114, %scan3A_146 : i32
      %mul3A_148 = arith.constant 16 : i32
      %mul3A_149 = arith.muli %scan3A_147, %mul3A_148 : i32
      %get3A_150 = arith.index_cast %mul3A_149 : i32 to index
      %get3A_151 = tpu.vector_load %arg6[%get3A_150] {strides = array<i32>} : memref<8192xi32, #tpu.memory_space<vmem>>, vector<16xi32>,
      %gather3A_152 = tpu.vector_load_idx %arg7[%get3A_151] : memref<100000xf32, #tpu.memory_space<vmem>>[vector<16xi32>], vector<16xf32>,
      %swap3A_153 = arith.index_cast %mul3A_149 : i32 to index
      %swap3A_154 = tpu.vector_load %arg9[%swap3A_153] {strides = array<i32>} : memref<8192xf32, #tpu.memory_space<vmem>>, vector<16xf32>,
      tpu.vector_store %arg9[%swap3A_153], %gather3A_152 {add = true, strides = array<i32>} : memref<8192xf32, #tpu.memory_space<vmem>>, vector<16xf32>,
      %scan3A_155 = arith.constant 5 : i32
      %scan3A_156 = arith.addi %scan3A_114, %scan3A_155 : i32
      %mul3A_157 = arith.constant 16 : i32
      %mul3A_158 = arith.muli %scan3A_156, %mul3A_157 : i32
      %get3A_159 = arith.index_cast %mul3A_158 : i32 to index
      %get3A_160 = tpu.vector_load %arg6[%get3A_159] {strides = array<i32>} : memref<8192xi32, #tpu.memory_space<vmem>>, vector<16xi32>,
      %gather3A_161 = tpu.vector_load_idx %arg7[%get3A_160] : memref<100000xf32, #tpu.memory_space<vmem>>[vector<16xi32>], vector<16xf32>,
      %swap3A_162 = arith.index_cast %mul3A_158 : i32 to index
      %swap3A_163 = tpu.vector_load %arg9[%swap3A_162] {strides = array<i32>} : memref<8192xf32, #tpu.memory_space<vmem>>, vector<16xf32>,
      tpu.vector_store %arg9[%swap3A_162], %gather3A_161 {add = true, strides = array<i32>} : memref<8192xf32, #tpu.memory_space<vmem>>, vector<16xf32>,
      %scan3A_164 = arith.constant 6 : i32
      %scan3A_165 = arith.addi %scan3A_114, %scan3A_164 : i32
      %mul3A_166 = arith.constant 16 : i32
      %mul3A_167 = arith.muli %scan3A_165, %mul3A_166 : i32
      %get3A_168 = arith.index_cast %mul3A_167 : i32 to index
      %get3A_169 = tpu.vector_load %arg6[%get3A_168] {strides = array<i32>} : memref<8192xi32, #tpu.memory_space<vmem>>, vector<16xi32>,
      %gather3A_170 = tpu.vector_load_idx %arg7[%get3A_169] : memref<100000xf32, #tpu.memory_space<vmem>>[vector<16xi32>], vector<16xf32>,
      %swap3A_171 = arith.index_cast %mul3A_167 : i32 to index
      %swap3A_172 = tpu.vector_load %arg9[%swap3A_171] {strides = array<i32>} : memref<8192xf32, #tpu.memory_space<vmem>>, vector<16xf32>,
      tpu.vector_store %arg9[%swap3A_171], %gather3A_170 {add = true, strides = array<i32>} : memref<8192xf32, #tpu.memory_space<vmem>>, vector<16xf32>,
      %scan3A_173 = arith.constant 7 : i32
      %scan3A_174 = arith.addi %scan3A_114, %scan3A_173 : i32
      %mul3A_175 = arith.constant 16 : i32
      %mul3A_176 = arith.muli %scan3A_174, %mul3A_175 : i32
      %get3A_177 = arith.index_cast %mul3A_176 : i32 to index
      %get3A_178 = tpu.vector_load %arg6[%get3A_177] {strides = array<i32>} : memref<8192xi32, #tpu.memory_space<vmem>>, vector<16xi32>,
      %gather3A_179 = tpu.vector_load_idx %arg7[%get3A_178] : memref<100000xf32, #tpu.memory_space<vmem>>[vector<16xi32>], vector<16xf32>,
      %swap3A_180 = arith.index_cast %mul3A_176 : i32 to index
      %swap3A_181 = tpu.vector_load %arg9[%swap3A_180] {strides = array<i32>} : memref<8192xf32, #tpu.memory_space<vmem>>, vector<16xf32>,
      tpu.vector_store %arg9[%swap3A_180], %gather3A_179 {add = true, strides = array<i32>} : memref<8192xf32, #tpu.memory_space<vmem>>, vector<16xf32>,
    }
    %scan3A_107 = arith.constant 512 : i32
    %dma_wait3A_108 = arith.constant 0 : i32
    %dma_wait3A_109 = tpu.memref_slice %arg5[%add3A_27, %dma_wait3A_108] : memref<64x8192xf32, #tpu.memory_space<hbm>> -> memref<1x8192xf32, #tpu.memory_space<hbm>>
    %dma_wait3A_110 = tpu.memref_squeeze %dma_wait3A_109 : memref<1x8192xf32, #tpu.memory_space<hbm>> -> memref<8192xf32, #tpu.memory_space<hbm>>
    %dma_wait3A_111 = arith.constant 0 : i32
    %dma_wait3A_112 = tpu.memref_slice %arg5[%add3A_27, %dma_wait3A_111] : memref<64x8192xf32, #tpu.memory_space<hbm>> -> memref<1x8192xf32, #tpu.memory_space<hbm>>
    %dma_wait3A_113 = tpu.memref_squeeze %dma_wait3A_112 : memref<1x8192xf32, #tpu.memory_space<hbm>> -> memref<8192xf32, #tpu.memory_space<hbm>>
    tpu.wait_dma2 semaphore(%arg12 : memref<!tpu.dma_semaphore, #tpu.memory_space<semaphore_mem>>) src(%arg8 : memref<8192xf32, #tpu.memory_space<vmem>>) dst(%dma_wait3A_113 : memref<8192xf32, #tpu.memory_space<hbm>>)
    "tpu.region"() ({
      %run_scoped3A = tpu.sem_alloc : memref<!tpu.dma_semaphore, #tpu.memory_space<semaphore_mem>>
      %dma_start3A_114 = arith.constant 0 : i32
      %dma_start3A_115 = tpu.memref_slice %arg5[%add3A_84, %dma_start3A_114] : memref<64x8192xf32, #tpu.memory_space<hbm>> -> memref<1x8192xf32, #tpu.memory_space<hbm>>
      %dma_start3A_116 = tpu.memref_squeeze %dma_start3A_115 : memref<1x8192xf32, #tpu.memory_space<hbm>> -> memref<8192xf32, #tpu.memory_space<hbm>>
      %dma_start3A_117 = arith.constant 0 : i32
      %dma_start3A_118 = tpu.memref_slice %arg5[%add3A_84, %dma_start3A_117] : memref<64x8192xf32, #tpu.memory_space<hbm>> -> memref<1x8192xf32, #tpu.memory_space<hbm>>
      %dma_start3A_119 = tpu.memref_squeeze %dma_start3A_118 : memref<1x8192xf32, #tpu.memory_space<hbm>> -> memref<8192xf32, #tpu.memory_space<hbm>>
      tpu.enqueue_dma source(%arg9 : memref<8192xf32, #tpu.memory_space<vmem>>) target(%dma_start3A_119 : memref<8192xf32, #tpu.memory_space<hbm>>) target_semaphore(%run_scoped3A : memref<!tpu.dma_semaphore, #tpu.memory_space<semaphore_mem>>)
      %dma_wait3A_120 = arith.constant 0 : i32
      %dma_wait3A_121 = tpu.memref_slice %arg5[%add3A_84, %dma_wait3A_120] : memref<64x8192xf32, #tpu.memory_space<hbm>> -> memref<1x8192xf32, #tpu.memory_space<hbm>>
      %dma_wait3A_122 = tpu.memref_squeeze %dma_wait3A_121 : memref<1x8192xf32, #tpu.memory_space<hbm>> -> memref<8192xf32, #tpu.memory_space<hbm>>
      %dma_wait3A_123 = arith.constant 0 : i32
      %dma_wait3A_124 = tpu.memref_slice %arg5[%add3A_84, %dma_wait3A_123] : memref<64x8192xf32, #tpu.memory_space<hbm>> -> memref<1x8192xf32, #tpu.memory_space<hbm>>
      %dma_wait3A_125 = tpu.memref_squeeze %dma_wait3A_124 : memref<1x8192xf32, #tpu.memory_space<hbm>> -> memref<8192xf32, #tpu.memory_space<hbm>>
      tpu.wait_dma2 semaphore(%run_scoped3A : memref<!tpu.dma_semaphore, #tpu.memory_space<semaphore_mem>>) src(%arg9 : memref<8192xf32, #tpu.memory_space<vmem>>) dst(%dma_wait3A_125 : memref<8192xf32, #tpu.memory_space<hbm>>)
      tpu.yield
    }) : () -> ()
    return
  }
}

</mosaic_0001>

<sc_bundles>
// kernel: kernel.3.cloned.1.call-start
scs
__scs_entry_jumppad:
0x0: {  	(pc) =	sbr.rel $0x88, $3  }
0x1: {  	(tag) =	ssettag $0x0;
	lr =	simm.s32 $0x1  }
0x2: {  	[smem:$0x3F9F] =	sst lr;
	_ =	strace $0xD0000000  }
0x3: {  	_ = 	snop  }
0x4: {  	_ = 	snop  }
0x5: {  	_ = 	snop  }
0x6: {  	_ = 	snop  }
0x7: {  	_ = 	snop  }
__scs_overlays_trampoline_lowered:
0x8: {  	[smem:$0x3FAE] =	sst s0  }
0x9: {  	[smem:$0x3FAF] =	sst s1  }
0xa: {  	[smem:$0x3FB0] =	sst s2  }
0xb: {  	[smem:$0x3FB1] =	sst s3  }
0xc: {  	[smem:$0x3FB2] =	sst s4  }
0xd: {  	[smem:$0x3FB3] =	sst s5  }
0xe: {  	[smem:$0x3FB4] =	sst s6  }
0xf: {  	[smem:$0x3FB5] =	sst s7  }
0x10: {  	[smem:$0x3FB6] =	sst s8  }
0x11: {  	[smem:$0x3FB7] =	sst s9;
	s0 =	simm.s32 @!p0 $0x0  }
0x12: {  	s1 =	sld [smem:$0x3F9D];
	s0 =	simm.s32 @p0 $0x1  }
0x13: {  	[smem:$0x3FB8] =	sst s0;
	s0 =	simm.s32 @!p1 $0x0  }
0x14: {  	s2 =	sld [smem:$0x3F9C];
	s0 =	simm.s32 @p1 $0x1  }
0x15: {  	[smem:$0x3FB9] =	sst s0;
	s0 =	simm.s32 @!p2 $0x0  }
0x16: {  	s3 =	sld [smem:$0x3FDB];
	s0 =	simm.s32 @p2 $0x1  }
0x17: {  	s4 =	simm.s32 $0x1BF5;
	[smem:$0x3FBB] =	sst s0  }
0x18: {  	s0 =	sld [smem:$0x3F9E];
	_ =	swait.ge [sflag:s4], $0x0  }
0x19: {  	s7 =	sld [smem:$0x3F9F]  }
0x1a: {  	s8 =	sadd.s32 $0xFFFFE003, lr  }
0x1b: {  	s9 =	sadd.s32 $0xFFFFFEF7, lr;
	s5 =	simm.s32 $0xFFFFFFFF;
	p2 =	slt.u32 s8, $0xFFFFF086  }
0x1c: {  	p1 =	slt.u32 s9, $0xF7A;
	s5 =	simm.s32 @!p2 $0x0  }
0x1d: {  	s5 =	simm.s32 @p1 $0x1;
	p0 =	seq.s32 s7, s2  }
0x1e: {  	s7 =	smul.u32 @!p0 $0xF7A, s2;
	p2 =	seq.s32 @!p0 s5, $0x0  }
0x1f: {  	s9 =	smul.u32 $0xF7A, s1;
	s8 =	simm.s32 @!p0 $0x1BF5;
	p2 =	por !p2, p0  }
0x20: {  	[sflag:s8] =	ssyncset.s32 @!p0 $0xFFFFF086;
	s6 =	sadd.s32 @!p0 s3, s7;
	s7 =	simm.s32 @!p0 $0x108  }
0x21: {  	s3 =	sadd.s32 s3, s9;
	s6 =	sadd.s32 @!p0 $0x88, s6;
	s7 =	simm.s32 @p2 $0x1082  }
0x22: {  	[simem:s7], [sflag:s8] =	dma.local @!p0 [hbm:s6], $0xF7A  }
0x23: {  	s9 =	sor.u32 $0xD0000000, s2;
	s6 =	simm.s32 $0x108;
	_ =	swait.ge @!p0 [sflag:s8], $0x0  }
0x24: {  	s3 =	sadd.s32 $0x88, s3;
	s6 =	simm.s32 @!p1 $0x1082;
	[sflag:s4] =	ssyncset.s32 $0xFFFFF086  }
0x25: {  	[simem:s6], [sflag:s4] =	dma.local [hbm:s3], $0xF7A  }
0x26: {  	[smem:$0x3F9F] =	sst s1;
	(tag) =	ssettag s2;
	_ =	strace s9  }
0x27: {  	s1 =	sld [smem:$0x3FAF]  }
0x28: {  	s2 =	sld [smem:$0x3FB0]  }
0x29: {  	s4 =	sld [smem:$0x3FB2]  }
0x2a: {  	p0 =	seq.s32 s5, $0x0;
	s5 =	sld [smem:$0x3FB3]  }
0x2b: {  	s6 =	sld [smem:$0x3FB4]  }
0x2c: {  	s7 =	sld [smem:$0x3FB5]  }
0x2d: {  	s3 =	simm.s32 $0x108;
	s8 =	sld [smem:$0x3FB6]  }
0x2e: {  	s3 =	simm.s32 @!p0 $0x1082;
	s9 =	sld [smem:$0x3FB7]  }
0x2f: {  	lr =	sadd.s32 s0, s3;
	s0 =	sld [smem:$0x3FAE]  }
0x30: {  	s3 =	sld [smem:$0x3FB1]  }
0x31: {  	[smem:$0x3FBA] =	sst s10  }
0x32: {  	s10 =	sld [smem:$0x3FB8];
	_ =	sdelay $0x3  }
0x33: {  	p0 =	seq.s32 s10, $0x1;
	s10 =	sld [smem:$0x3FBA];
	_ =	sdelay $0x3  }
0x34: {  	[smem:$0x3FBA] =	sst s10  }
0x35: {  	s10 =	sld [smem:$0x3FB9];
	_ =	sdelay $0x3  }
0x36: {  	p1 =	seq.s32 s10, $0x1;
	s10 =	sld [smem:$0x3FBA];
	_ =	sdelay $0x3  }
0x37: {  	[smem:$0x3FBA] =	sst s10  }
0x38: {  	s10 =	sld [smem:$0x3FBB]  }
0x39: {  	_ = 	snop;
	(pc) =	sbr.ind lr, $3  }
0x3a: {  	_ = 	snop  }
0x3b: {  	_ = 	snop  }
0x3c: {  	p2 =	seq.s32 s10, $0x1;
	s10 =	sld [smem:$0x3FBA]  }
0x3d: {  	_ =	shalt  }
0x3e: {  	_ =	shalt  }
0x3f: {  	_ =	shalt  }
0x40: {  	_ =	shalt  }
0x41: {  	_ =	shalt  }
0x42: {  	_ =	shalt  }
0x43: {  	_ =	shalt  }
0x44: {  	_ =	shalt  }
0x45: {  	_ =	shalt  }
0x46: {  	_ =	shalt  }
0x47: {  	_ =	shalt  }
0x48: {  	_ =	shalt  }
0x49: {  	_ =	shalt  }
0x4a: {  	_ =	shalt  }
0x4b: {  	_ =	shalt  }
0x4c: {  	_ =	shalt  }
0x4d: {  	_ =	shalt  }
0x4e: {  	_ =	shalt  }
0x4f: {  	_ =	shalt  }
0x50: {  	_ =	shalt  }
0x51: {  	_ =	shalt  }
0x52: {  	_ =	shalt  }
0x53: {  	_ =	shalt  }
0x54: {  	_ =	shalt  }
0x55: {  	_ =	shalt  }
0x56: {  	_ =	shalt  }
0x57: {  	_ =	shalt  }
0x58: {  	_ =	shalt  }
0x59: {  	_ =	shalt  }
0x5a: {  	_ =	shalt  }
0x5b: {  	_ =	shalt  }
0x5c: {  	_ =	shalt  }
0x5d: {  	_ =	shalt  }
0x5e: {  	_ =	shalt  }
0x5f: {  	_ =	shalt  }
0x60: {  	_ =	shalt  }
0x61: {  	_ =	shalt  }
0x62: {  	_ =	shalt  }
0x63: {  	_ =	shalt  }
0x64: {  	_ =	shalt  }
0x65: {  	_ =	shalt  }
0x66: {  	_ =	shalt  }
0x67: {  	_ =	shalt  }
0x68: {  	_ =	shalt  }
0x69: {  	_ =	shalt  }
0x6a: {  	_ =	shalt  }
0x6b: {  	_ =	shalt  }
0x6c: {  	_ =	shalt  }
0x6d: {  	_ =	shalt  }
0x6e: {  	_ =	shalt  }
0x6f: {  	_ =	shalt  }
0x70: {  	_ =	shalt  }
0x71: {  	_ =	shalt  }
0x72: {  	_ =	shalt  }
0x73: {  	_ =	shalt  }
0x74: {  	_ =	shalt  }
0x75: {  	_ =	shalt  }
0x76: {  	_ =	shalt  }
0x77: {  	_ =	shalt  }
0x78: {  	_ =	shalt  }
0x79: {  	_ =	shalt  }
0x7a: {  	_ =	shalt  }
0x7b: {  	_ =	shalt  }
0x7c: {  	_ =	shalt  }
0x7d: {  	_ =	shalt  }
0x7e: {  	_ =	shalt  }
0x7f: {  	_ =	shalt  }
0x80: {  	_ =	shalt  }
0x81: {  	_ =	shalt  }
0x82: {  	_ =	shalt  }
0x83: {  	_ =	shalt  }
0x84: {  	_ =	shalt  }
0x85: {  	_ =	shalt  }
0x86: {  	_ =	shalt  }
0x87: {  	_ =	shalt  }
.Lfunc_end0:
.L_simem_size_0:
called_computation_lowered:
.L_overlay_start_0:
0x88: {  	s2 =	sld [smem:$0x3FD9]  }
0x89: {  	s3 =	sld [smem:$0x3FFE];
	_ =	sdelay $0x1  }
0x8a: {  	s1 =	srdreg.scid  }
0x8b: {  	s0 =	sand.u32 $0x1, s1  }
0x8c: {  	s17 =	sshll.u32 s0, $0xA;
	s2 =	sadd.s32 s3, s2  }
0x8d: {  	s2 =	sadd.s32 s2, s17  }
0x8e: {  	[smem:$0x3FC6] =	sst s2  }
0x8f: {  	_ = 	snop  }
0x90: {  	s2 =	sld [smem:$0x3FC9]  }
0x91: {  	s18 =	sld [smem:$0x3FC8]  }
0x92: {  	s4 =	sld [smem:$0x3FD0];
	(tm) =	ssettm $0x1  }
0x93: {  	s5 =	sld [smem:$0x3FFB];
	_ =	sdelay $0x3  }
0x94: {  	_ =	strace s5  }
0x95: {  	s5 =	sld [smem:$0x3FFC];
	_ =	sdelay $0x3  }
0x96: {  	_ =	strace s5  }
0x97: {  	s5 =	sld [smem:$0x3FFD];
	_ =	sdelay $0x3  }
0x98: {  	_ =	strace s5  }
0x99: {  	_ =	strace $0x8FFFFFFF  }
0x9a: {  	s19 =	sld [smem:$0x3FDB];
	_ =	sdelay $0x1  }
0x9b: {  	s6 =	simm.s32 $_scs_section_size  }
0x9c: {  	s7 =	simm.s32 $_size__tile_overlayer_lowered;
	s8 =	simm.s32 $_tile_overlayer_lowered  }
0x9d: {  	s22 =	simm.s32 $0x1BFF;
	s21 =	sshll.u32 s8, $0x1;
	s5 =	sadd.s32 s6, s19  }
0x9e: {  	s9 =	simm.s32 $0x0;
	s20 =	sshll.u32 s7, $0x1;
	s7 =	sadd.s32 s21, s5  }
0x9f: {  	[timem:s9], [sflag:s22] =	dma.local [hbm:s7], s20  }
0xa0: {  	_ =	swait.ge [sflag:s22], s20  }
0xa1: {  	s6 =	ssub.s32 $0x0, s20;
	[sflag:s22] =	ssyncset.done $0x0  }
0xa2: {  	[sflag:s22] =	ssyncadd.s32 s6;
	_ =	sdelay $0x1  }
0xa3: {  	s23 =	simm.s32 $0x1B8B  }
0xa4: {  	_ =	swait.ge [sflag:s23], $0x1  }
0xa5: {  	[sflag:s23] =	ssyncset.done $0x0  }
0xa6: {  	s25 =	simm.s32 $0x1B8E;
	s24 =	sld [smem:$0x3FFE];
	[sflag:s23] =	ssyncadd.s32 $0xFFFFFFFF  }
0xa7: {  	s26 =	simm.s32 $execute0_lowered;
	[smem:$0x3FD2] =	sst s25  }
0xa8: {  	s7 =	sshll.u32 s26, $0x1;
	_ =	strace $0x80000046;
	[dreg:$0x1] =	wrdreg $0xFFFFFFFF  }
0xa9: {  	s28 =	simm.s32 $_size_execute0_lowered;
	s5 =	sadd.s32 s5, s7;
	[dreg:$0x0] =	wrdreg $0x0  }
0xaa: {  	s7 =	sshll.u32 s28, $0x1;
	[dreg:$0x2] =	wrdreg s5  }
0xab: {  	[dreg:$0x3] =	wrdreg s7  }
0xac: {  	[dreg:$0x4] =	wrdreg $0xC0  }
0xad: {  	_ =	task [dreg:s9], $0x5FFFF  }
0xae: {  	[dreg:$0x1] =	wrdreg $0xFFFFFFFF  }
0xaf: {  	[dreg:$0x0] =	wrdreg $0x60  }
0xb0: {  	[dreg:$0x2] =	wrdreg s18  }
0xb1: {  	[dreg:$0x3] =	wrdreg s2  }
0xb2: {  	[dreg:$0x4] =	wrdreg s24  }
0xb3: {  	[dreg:$0x5] =	wrdreg s4  }
0xb4: {  	[dreg:$0x6] =	wrdreg $0x9  }
0xb5: {  	_ =	task.clear_ibuf [dreg:s9], $0x7FFFF;
	_ =	strace $0x90000046  }
0xb6: {  	s29 =	simm.s32 $0x9;
	_ =	strace $0x80000048  }
0xb7: {  	_ =	swait.ge [sflag:s29], $0x1  }
0xb8: {  	[sflag:s29] =	ssyncadd.s32 $0xFFFFFFFF  }
0xb9: {  	_ =	strace $0x90000048  }
0xba: {  	_ =	sfence  }
0xbb: {  	s30 =	sld [smem:$0x0];
	_ =	sdelay $0x2  }
0xbc: {  	s31 =	sshll.u32 s1, $0xD;
	s1 =	sshrl.u32 s1, $0x2  }
0xbd: {  	s3 =	sand.u32 $0x4000, s31;
	s1 =	sadd.s32 s1, s30  }
0xbe: {  	s0 =	sor.u32 s3, s0;
	s1 =	sshll.u32 s1, $0x11  }
0xbf: {  	s0 =	sor.u32 s1, s0  }
0xc0: {  	s0 =	sadd.s32 $0x8F2B, s0  }
0xc1: {  	[sflag:s0] =	ssyncadd.remote.s32 $0x1  }
0xc2: {  	_ =	sfence.sel $0xFFFF  }
0xc3: {  	[dreg:$0x0] =	wrdreg $0xFFFFFFFF;
	(pc) =	sbr.abs _section_cstart, $3  }
0xc4: {  	[dreg:$0x1] =	wrdreg $0xFFFFFFFF  }
0xc5: {  	_ =	task.clear_ibuf [dreg:s9], $0x2FFFF;
	_ =	strace $0x9FFFFFFF  }
0xc6: {  	(tm) =	ssettm $0x7FFFFFFF  }
0xc7: {  	_ =	shalt  }
tec
execute0_lowered:
.L_overlay_start_1:
0x0: {  	(tag) =	ssettag $0x1  }
0x1: {  	s7 =	rddreg [dreg:$0x0]  }
0x2: {  	s1 =	rddreg [dreg:$0x1]  }
0x3: {  	s5 =	rddreg [dreg:$0x2]  }
0x4: {  	s11 =	rddreg [dreg:$0x3]  }
0x5: {  	s0 =	rddreg [dreg:$0x4]  }
0x6: {  	s4 =	srdreg.scid;
	s2 =	stileid.u32  }
0x7: {  	s3 =	simm.s32 $0x0;
	s18 =	simm.s32 $0x4;
	s19 =	simm.s32 $0x1  }
0x8: {  	s20 =	simm.s32 $0x2;
	s21 =	simm.s32 $0x1C700;
	s22 =	simm.s32 $0x3  }
0x9: {  	s23 =	simm.s32 $0x0;
	s4 =	sand.u32 $0x1, s4;
	s6 =	sshll.u32 s2, $0x1  }
0xa: {  	[smem:$0x7FF] =	sst s3;
	s8 =	sshrl.u32 s2, $0x1;
	s12 =	sadd.s32 $0x400, s5  }
0xb: {  	s17 =	sadd.s32 $0x10400, s5;
	s6 =	sor.u32 s4, s6;
	_ =	strace $0x80000047  }
0xc: {  	s10 =	smul.u32 $0xC3800, s8;
	s4 =	ssub.s32 $0x2, s4;
	s28 =	sshll.u32 s8, $0x10  }
0xd: {  	s9 =	sshll.u32 s6, $0x8;
	s13 =	sshrl.u32 s4, $0x1;
	s15 =	sshllo.u32 s6, $0x1  }
0xe: {  	s16 =	sshll.u32 s6, $0x3;
	s6 =	sshll.u32 s6, $0xB;
	s9 =	sand.u32 $0x300, s9  }
0xf: {  	s13 =	ssub.s32 s4, s13;
	s25 =	sshll.u32 s15, $0x7;
	s5 =	sadd.s32 s16, s17  }
0x10: {  	s6 =	sadd.s32 s12, s6;
	s26 =	sshll.u32 s15, $0x2;
	s30 =	sshll.u32 s15, $0xA  }
0x11: {  	s15 =	simm.s32 $0x2000;
	s14 =	sor.u32 s10, s9;
	s8 =	sadd.s32 s26, s17  }
0x12: {  	s9 =	sor.u32 s28, s9;
	s17 =	simm.s32 $0x1A700;
	s24 =	sshrl.u32 s14, $0x3  }
0x13: {  	s14 =	sand.u32 $0x380, s25;
	s31 =	sshrl.u32 s9, $0x3;
	s9 =	sadd.s32 s12, s30  }
0x14: {  	s12 =	smax.u32 s13, $0x1;
	s13 =	simm.s32 $0x80;
	s10 =	sor.u32 s10, s14  }
0x15: {  	s4 =	sadd.s32 s7, s24;
	s29 =	sor.u32 s28, s14;
	s10 =	sshrl.u32 s10, $0x3  }
0x16: {  	s14 =	simm.s32 $0x400;
	s16 =	sshrl.u32 s29, $0x3;
	s7 =	sadd.s32 s7, s10  }
0x17: {  	s10 =	sadd.s32 s11, s31;
	s11 =	sadd.s32 s11, s16;
	s16 =	simm.s32 $0x1A680  }
.LBB2_1:
0x18: {  	[tilespmem:s15], [sflag:$0x1] =	stream.strided.gather [hbm4b:s4+s13], $0x18680, s14, s13, $0x38;
	[tilespmem:$0x1E700] =	vst v63  }
0x19: {  	_ = 	snop  }
0x1a: {  	[tilespmem:s16], [sflag:$0x1] =	stream.linear.gather [hbm4b:s5+s3], $0x20, $0x38;
	[tilespmem:$0x1E700] =	vst v63  }
0x1b: {  	_ = 	snop  }
0x1c: {  	[tilespmem:s17], [sflag:$0x2] =	stream.linear.gather [hbm4b:s6+s3], $0x2000, $0x38;
	[tilespmem:$0x1E700] =	vst v63  }
0x1d: {  	_ = 	snop  }
0x1e: {  	[tilespmem:s3], [sflag:$0x4] =	stream.linear.gather [hbm4b:s1+s3], $0x2000, $0x38;
	[tilespmem:$0x1E700] =	vst v63  }
0x1f: {  	_ =	swait.ge [sflag:s18], $0x2000  }
0x20: {  	[sflag:s18] =	ssyncset.done $0x0  }
0x21: {  	[sflag:s18] =	ssyncadd.s32 $0xFFFFE000  }
0x22: {  	_ =	swait.ge [sflag:s19], $0x18680  }
0x23: {  	[sflag:s19] =	ssyncset.done $0x0  }
0x24: {  	[sflag:s19] =	ssyncadd.s32 $0xFFFE7980  }
0x25: {  	_ =	swait.ge [sflag:s19], $0x20  }
0x26: {  	[sflag:s19] =	ssyncset.done $0x0  }
0x27: {  	[sflag:s19] =	ssyncadd.s32 $0xFFFFFFE0  }
0x28: {  	_ =	swait.ge [sflag:s20], $0x2000  }
0x29: {  	[sflag:s20] =	ssyncset.done $0x0  }
0x2a: {  	s24 =	simm.s32 $0x0;
	[sflag:s20] =	ssyncadd.s32 $0xFFFFE000  }
0x2b: {  	v0 =	vld [tilespmem:s24+$0x0];
	_ =	sdelay $0x5  }
0x2c: {  	v1 =	vld [tilespmem:s24+$0x10];
	_ =	sdelay $0x1  }
0x2d: {  	v0 =	vld.idx.msk [tilespmem:v0+s15+$0x0], $0xffff;
	_ =	sdelay $0x3  }
0x2e: {  	v2 =	vld [tilespmem:s24+$0x20]  }
0x2f: {  	[tilespmem:s24+$0x1A700] =	vst.add.f32.msk $0xffff, v0  }
0x30: {  	v0 =	vld.idx.msk [tilespmem:v1+s15+$0x0], $0xffff;
	_ =	sdelay $0x3  }
0x31: {  	v1 =	vld [tilespmem:s24+$0x30]  }
0x32: {  	[tilespmem:s24+$0x1A710] =	vst.add.f32.msk $0xffff, v0  }
0x33: {  	v0 =	vld.idx.msk [tilespmem:v2+s15+$0x0], $0xffff;
	_ =	sdelay $0x3  }
0x34: {  	v2 =	vld [tilespmem:s24+$0x40]  }
0x35: {  	[tilespmem:s24+$0x1A720] =	vst.add.f32.msk $0xffff, v0  }
0x36: {  	v0 =	vld.idx.msk [tilespmem:v1+s15+$0x0], $0xffff;
	_ =	sdelay $0x3  }
0x37: {  	v1 =	vld [tilespmem:s24+$0x50]  }
0x38: {  	[tilespmem:s24+$0x1A730] =	vst.add.f32.msk $0xffff, v0  }
0x39: {  	v0 =	vld.idx.msk [tilespmem:v2+s15+$0x0], $0xffff;
	_ =	sdelay $0x3  }
0x3a: {  	v2 =	vld [tilespmem:s24+$0x60]  }
0x3b: {  	[tilespmem:s24+$0x1A740] =	vst.add.f32.msk $0xffff, v0  }
0x3c: {  	v1 =	vld.idx.msk [tilespmem:v1+s15+$0x0], $0xffff;
	_ =	sdelay $0x3  }
0x3d: {  	v0 =	vld [tilespmem:s24+$0x70]  }
0x3e: {  	[tilespmem:s24+$0x1A750] =	vst.add.f32.msk $0xffff, v1  }
0x3f: {  	v1 =	vld.idx.msk [tilespmem:v2+s15+$0x0], $0xffff;
	_ =	sdelay $0x1  }
0x40: {  	s25 =	simm.s32 $0x0;
	s26 =	simm.s32 $0x200  }
.LBB2_2:
0x41: {  	s28 =	sshra.s32 s26, $0x2  }
0x42: {  	s25 =	sadd.s32 $0x8, s25;
	v2 =	vld [tilespmem:s28+$0x0]  }
0x43: {  	p0 =	slt.u32 s25, $0x1F8;
	[tilespmem:s24+$0x1A760] =	vst.add.f32.msk $0xffff, v1  }
0x44: {  	v0 =	vld.idx.msk [tilespmem:v0+s15+$0x0], $0xffff;
	_ =	sdelay $0x4  }
0x45: {  	v1 =	vld [tilespmem:s28+$0x10]  }
0x46: {  	[tilespmem:s24+$0x1A770] =	vst.add.f32.msk $0xffff, v0;
	s24 =	smov.u32 s28  }
0x47: {  	v0 =	vld.idx.msk [tilespmem:v2+s15+$0x0], $0xffff;
	_ =	sdelay $0x4  }
0x48: {  	v2 =	vld [tilespmem:s24+$0x20]  }
0x49: {  	[tilespmem:s24+$0x1A700] =	vst.add.f32.msk $0xffff, v0  }
0x4a: {  	v0 =	vld.idx.msk [tilespmem:v1+s15+$0x0], $0xffff;
	_ =	sdelay $0x4  }
0x4b: {  	v1 =	vld [tilespmem:s24+$0x30]  }
0x4c: {  	[tilespmem:s24+$0x1A710] =	vst.add.f32.msk $0xffff, v0  }
0x4d: {  	v0 =	vld.idx.msk [tilespmem:v2+s15+$0x0], $0xffff;
	_ =	sdelay $0x4  }
0x4e: {  	v2 =	vld [tilespmem:s24+$0x40]  }
0x4f: {  	[tilespmem:s24+$0x1A720] =	vst.add.f32.msk $0xffff, v0  }
0x50: {  	v0 =	vld.idx.msk [tilespmem:v1+s15+$0x0], $0xffff;
	_ =	sdelay $0x4  }
0x51: {  	v1 =	vld [tilespmem:s24+$0x50]  }
0x52: {  	[tilespmem:s24+$0x1A730] =	vst.add.f32.msk $0xffff, v0  }
0x53: {  	v0 =	vld.idx.msk [tilespmem:v2+s15+$0x0], $0xffff;
	_ =	sdelay $0x4  }
0x54: {  	v2 =	vld [tilespmem:s24+$0x60]  }
0x55: {  	[tilespmem:s24+$0x1A740] =	vst.add.f32.msk $0xffff, v0  }
0x56: {  	v1 =	vld.idx.msk [tilespmem:v1+s15+$0x0], $0xffff;
	_ =	sdelay $0x4  }
0x57: {  	v0 =	vld [tilespmem:s24+$0x70]  }
.Ltmp0:
0x58: {  	[tilespmem:s24+$0x1A750] =	vst.add.f32.msk $0xffff, v1;
	(pc) =	sbr.rel @p0 .LBB2_2-.Ltmp0, $2  }
0x59: {  	v1 =	vld.idx.msk [tilespmem:v2+s15+$0x0], $0xffff;
	_ =	sdelay $0x2  }
0x5a: {  	s26 =	sadd.s32 $0x200, s26  }
0x5b: {  	_ =	sdelay $0x2  }
0x5c: {  	[tilespmem:s24+$0x1A760] =	vst.add.f32.msk $0xffff, v1  }
0x5d: {  	v0 =	vld.idx.msk [tilespmem:v0+s15+$0x0], $0xffff;
	_ =	sdelay $0x4  }
0x5e: {  	[tilespmem:s24+$0x1A770] =	vst.add.f32.msk $0xffff, v0  }
0x5f: {  	[tilespmem:s15], [sflag:$0x1] =	stream.strided.gather [hbm4b:s7+s13], $0x18680, s14, s13, $0x38;
	[tilespmem:$0x1E700] =	vst v63  }
0x60: {  	s31 =	simm.s32 $0x0  }
0x61: {  	[tilespmem:s16], [sflag:$0x1] =	stream.linear.gather [hbm4b:s8+s31], $0x20, $0x38;
	[tilespmem:$0x1E700] =	vst v63  }
0x62: {  	_ = 	snop  }
0x63: {  	[tilespmem:s21], [sflag:$0x2] =	stream.linear.gather [hbm4b:s9+s31], $0x2000, $0x38;
	[tilespmem:$0x1E700] =	vst v63  }
0x64: {  	_ = 	snop  }
0x65: {  	[hbm4b:s10+s13] =	stream.strided.scatter [tilespmem:s17], [sflag:$0x3], $0x2000, s14, s13, $0x38;
	[tilespmem:$0x1E700] =	vst v63  }
0x66: {  	_ =	swait.ge [sflag:s19], $0x18680  }
0x67: {  	[sflag:s19] =	ssyncset.done $0x0  }
0x68: {  	[sflag:s19] =	ssyncadd.s32 $0xFFFE7980  }
0x69: {  	_ =	swait.ge [sflag:s19], $0x20  }
0x6a: {  	[sflag:s19] =	ssyncset.done $0x0  }
0x6b: {  	[sflag:s19] =	ssyncadd.s32 $0xFFFFFFE0  }
0x6c: {  	_ =	swait.ge [sflag:s20], $0x2000  }
0x6d: {  	[sflag:s20] =	ssyncset.done $0x0  }
0x6e: {  	s24 =	simm.s32 $0x0;
	[sflag:s20] =	ssyncadd.s32 $0xFFFFE000  }
0x6f: {  	v0 =	vld [tilespmem:s24+$0x0];
	_ =	sdelay $0x5  }
0x70: {  	v1 =	vld [tilespmem:s24+$0x10];
	_ =	sdelay $0x1  }
0x71: {  	v0 =	vld.idx.msk [tilespmem:v0+s15+$0x0], $0xffff;
	_ =	sdelay $0x3  }
0x72: {  	v2 =	vld [tilespmem:s24+$0x20]  }
0x73: {  	[tilespmem:s24+$0x1C700] =	vst.add.f32.msk $0xffff, v0  }
0x74: {  	v0 =	vld.idx.msk [tilespmem:v1+s15+$0x0], $0xffff;
	_ =	sdelay $0x3  }
0x75: {  	v1 =	vld [tilespmem:s24+$0x30]  }
0x76: {  	[tilespmem:s24+$0x1C710] =	vst.add.f32.msk $0xffff, v0  }
0x77: {  	v0 =	vld.idx.msk [tilespmem:v2+s15+$0x0], $0xffff;
	_ =	sdelay $0x3  }
0x78: {  	v2 =	vld [tilespmem:s24+$0x40]  }
0x79: {  	[tilespmem:s24+$0x1C720] =	vst.add.f32.msk $0xffff, v0  }
0x7a: {  	v0 =	vld.idx.msk [tilespmem:v1+s15+$0x0], $0xffff;
	_ =	sdelay $0x3  }
0x7b: {  	v1 =	vld [tilespmem:s24+$0x50]  }
0x7c: {  	[tilespmem:s24+$0x1C730] =	vst.add.f32.msk $0xffff, v0  }
0x7d: {  	v0 =	vld.idx.msk [tilespmem:v2+s15+$0x0], $0xffff;
	_ =	sdelay $0x3  }
0x7e: {  	v2 =	vld [tilespmem:s24+$0x60]  }
0x7f: {  	[tilespmem:s24+$0x1C740] =	vst.add.f32.msk $0xffff, v0  }
0x80: {  	v1 =	vld.idx.msk [tilespmem:v1+s15+$0x0], $0xffff;
	_ =	sdelay $0x3  }
0x81: {  	v0 =	vld [tilespmem:s24+$0x70]  }
0x82: {  	[tilespmem:s24+$0x1C750] =	vst.add.f32.msk $0xffff, v1  }
0x83: {  	v1 =	vld.idx.msk [tilespmem:v2+s15+$0x0], $0xffff;
	_ =	sdelay $0x1  }
0x84: {  	s25 =	simm.s32 $0x0;
	s26 =	simm.s32 $0x200  }
.LBB2_4:
0x85: {  	s28 =	sshra.s32 s26, $0x2  }
0x86: {  	s25 =	sadd.s32 $0x8, s25;
	v2 =	vld [tilespmem:s28+$0x0]  }
0x87: {  	p0 =	slt.u32 s25, $0x1F8;
	[tilespmem:s24+$0x1C760] =	vst.add.f32.msk $0xffff, v1  }
0x88: {  	v0 =	vld.idx.msk [tilespmem:v0+s15+$0x0], $0xffff;
	_ =	sdelay $0x4  }
0x89: {  	v1 =	vld [tilespmem:s28+$0x10]  }
0x8a: {  	[tilespmem:s24+$0x1C770] =	vst.add.f32.msk $0xffff, v0;
	s24 =	smov.u32 s28  }
0x8b: {  	v0 =	vld.idx.msk [tilespmem:v2+s15+$0x0], $0xffff;
	_ =	sdelay $0x4  }
0x8c: {  	v2 =	vld [tilespmem:s24+$0x20]  }
0x8d: {  	[tilespmem:s24+$0x1C700] =	vst.add.f32.msk $0xffff, v0  }
0x8e: {  	v0 =	vld.idx.msk [tilespmem:v1+s15+$0x0], $0xffff;
	_ =	sdelay $0x4  }
0x8f: {  	v1 =	vld [tilespmem:s24+$0x30]  }
0x90: {  	[tilespmem:s24+$0x1C710] =	vst.add.f32.msk $0xffff, v0  }
0x91: {  	v0 =	vld.idx.msk [tilespmem:v2+s15+$0x0], $0xffff;
	_ =	sdelay $0x4  }
0x92: {  	v2 =	vld [tilespmem:s24+$0x40]  }
0x93: {  	[tilespmem:s24+$0x1C720] =	vst.add.f32.msk $0xffff, v0  }
0x94: {  	v0 =	vld.idx.msk [tilespmem:v1+s15+$0x0], $0xffff;
	_ =	sdelay $0x4  }
0x95: {  	v1 =	vld [tilespmem:s24+$0x50]  }
0x96: {  	[tilespmem:s24+$0x1C730] =	vst.add.f32.msk $0xffff, v0  }
0x97: {  	v0 =	vld.idx.msk [tilespmem:v2+s15+$0x0], $0xffff;
	_ =	sdelay $0x4  }
0x98: {  	v2 =	vld [tilespmem:s24+$0x60]  }
0x99: {  	[tilespmem:s24+$0x1C740] =	vst.add.f32.msk $0xffff, v0  }
0x9a: {  	v1 =	vld.idx.msk [tilespmem:v1+s15+$0x0], $0xffff;
	_ =	sdelay $0x4  }
0x9b: {  	v0 =	vld [tilespmem:s24+$0x70]  }
.Ltmp1:
0x9c: {  	[tilespmem:s24+$0x1C750] =	vst.add.f32.msk $0xffff, v1;
	(pc) =	sbr.rel @p0 .LBB2_4-.Ltmp1, $2  }
0x9d: {  	v1 =	vld.idx.msk [tilespmem:v2+s15+$0x0], $0xffff;
	_ =	sdelay $0x2  }
0x9e: {  	s26 =	sadd.s32 $0x200, s26  }
0x9f: {  	_ =	sdelay $0x2  }
0xa0: {  	[tilespmem:s24+$0x1C760] =	vst.add.f32.msk $0xffff, v1  }
0xa1: {  	v0 =	vld.idx.msk [tilespmem:v0+s15+$0x0], $0xffff;
	_ =	sdelay $0x4  }
0xa2: {  	[tilespmem:s24+$0x1C770] =	vst.add.f32.msk $0xffff, v0  }
0xa3: {  	s23 =	sadd.s32 $0x1, s23;
	_ =	swait.ge [sflag:s22], $0x2000  }
0xa4: {  	p0 =	sne.s32 s23, s12;
	[sflag:s22] =	ssyncset.done $0x0  }
.Ltmp2:
0xa5: {  	[sflag:s22] =	ssyncadd.s32 $0xFFFFE000;
	(pc) =	sbr.rel @p0 .LBB2_1-.Ltmp2, $4  }
0xa6: {  	[hbm4b:s11+s13] =	stream.strided.scatter [tilespmem:s21], [sflag:$0x4], $0x2000, s14, s13, $0x38;
	[tilespmem:$0x1E700] =	vst v63  }
0xa7: {  	_ =	swait.ge [sflag:s18], $0x2000  }
0xa8: {  	[sflag:s18] =	ssyncset.done $0x0  }
0xa9: {  	[sflag:s18] =	ssyncadd.s32 $0xFFFFE000  }
0xaa: {  	_ =	sfence.sel $0x180000  }
0xab: {  	[bflag:$0x0] =	sbarrier.arrive $0xFFFF  }
0xac: {  	p0 =	sne.s32 s2, $0x0;
	_ =	strace $0x90000047  }
0xad: {  	s0 =	sadd.s32 @!p0 $0x100000, s0;
	[bflag:$0x2] =	sbarrier.arrive $0xFFFF  }
0xae: {  	[sflag:s0] =	ssyncadd.tile.s32 @!p0 $0x1;
	_ =	shalt  }
.Lfunc_end2:
_tile_overlayer_lowered:
.L_overlay_start_2:
0xaf: {  	(tag) =	ssettag $0x2  }
0xb0: {  	s0 =	rddreg [dreg:$0x0];
	s2 =	stileid.u32  }
0xb1: {  	s1 =	rddreg [dreg:$0x1];
	p0 =	sne.s32 s2, $0x0  }
0xb2: {  	s3 =	rddreg [dreg:$0x2];
	[bflag:$0x3] =	sbarrier.arrive $0xFFFF;
	s2 =	simm.s32 @!p0 $0x1C04  }
0xb3: {  	[timem:s3], [sflag:s2] =	dma.local @!p0 [hbm:s0], s1  }
0xb4: {  	s0 =	simm.s32 @!p0 $0x4  }
0xb5: {  	_ =	swait.ge @!p0 [sflag:s0], s1  }
0xb6: {  	s1 =	ssub.s32 @!p0 $0x0, s1;
	[sflag:s0] =	ssyncset.done @!p0 $0x0  }
0xb7: {  	[sflag:s0] =	ssyncadd.s32 @!p0 s1  }
0xb8: {  	[bflag:$0x3] =	sbarrier.arrive $0xFFFF  }
0xb9: {  	_ =	shalt  }

</sc_bundles>
